<compile_context>
chip_gen: v7x
topology: tpu7x:2x2x1
jax: 0.10.2.dev20260603
libtpu: 0.0.44.dev20260713+nightly
codegen_flags: <defaults>
</compile_context>

<pallas_src>
import functools

import jax
import jax.numpy as jnp
from jax import lax
from jax.experimental import pallas as pl
from jax.experimental.pallas import tpu as pltpu
from jax.experimental.pallas import tpu_sc as plsc

NUM_FIELDS = 26
VOCAB = 100000
EMBED_DIM = 32
BATCH = 16384

_INFO = plsc.get_sparse_core_info()
_NC, _NS, _L = _INFO.num_cores, _INFO.num_subcores, _INFO.num_lanes
_NW = _NC * _NS
_N = BATCH * NUM_FIELDS
_N_PER = _N // _NW
_CHUNK = 128
_NCHUNK = _N_PER // _CHUNK
_NBUF = 4


def _sc_body(table_hbm, idx_hbm, out_hbm, idx_v, gidx_v, rows_v, gsem, wsem):
    wid = lax.axis_index("s") * _NC + lax.axis_index("c")
    base = wid * _N_PER

    pltpu.sync_copy(idx_hbm.at[pl.ds(base, _N_PER)], idx_v)

    lane = lax.broadcasted_iota(jnp.int32, (_L,), 0)

    def compute(i, _):
        p = i * _L
        v = idx_v[pl.ds(p, _L)]
        f = lax.rem(p + lane, NUM_FIELDS)
        gidx_v[pl.ds(p, _L)] = v + f * VOCAB
        return 0

    lax.fori_loop(0, _N_PER // _L, compute, 0)

    def start_gather(c, b):
        pltpu.async_copy(table_hbm.at[gidx_v.at[pl.ds(c * _CHUNK, _CHUNK)]],
                         rows_v.at[b], gsem.at[b])

    def wait_gather(c, b):
        pltpu.make_async_copy(table_hbm.at[gidx_v.at[pl.ds(c * _CHUNK, _CHUNK)]],
                              rows_v.at[b], gsem.at[b]).wait()

    def start_wb(c, b):
        pltpu.make_async_copy(rows_v.at[b],
                              out_hbm.at[pl.ds(base + c * _CHUNK, _CHUNK)],
                              wsem.at[b]).start()

    def wait_wb(c, b):
        pltpu.make_async_copy(rows_v.at[b],
                              out_hbm.at[pl.ds(base + c * _CHUNK, _CHUNK)],
                              wsem.at[b]).wait()

    for c in range(_NBUF):
        start_gather(c, c)

    def body(c, _):
        @pl.when(c >= 1)
        def _():
            pb = (c - 1) % _NBUF
            wait_wb(c - 1, pb)

            @pl.when(c - 1 + _NBUF < _NCHUNK)
            def _():
                start_gather(c - 1 + _NBUF, pb)

        b = c % _NBUF
        wait_gather(c, b)
        start_wb(c, b)
        return 0

    lax.fori_loop(0, _NCHUNK, body, 0)
    wait_wb(_NCHUNK - 1, (_NCHUNK - 1) % _NBUF)


@jax.jit
def _run(table_flat, idx_flat):
    mesh = plsc.VectorSubcoreMesh(core_axis_name="c", subcore_axis_name="s")
    kern = functools.partial(
        pl.kernel,
        mesh=mesh,
        compiler_params=pltpu.CompilerParams(use_tc_tiling_on_sc=False),
        out_type=jax.ShapeDtypeStruct((_N, EMBED_DIM), jnp.float32),
        scratch_types=[
            pltpu.VMEM((_N_PER,), jnp.int32),
            pltpu.VMEM((_N_PER,), jnp.int32),
            pltpu.VMEM((_NBUF, _CHUNK, EMBED_DIM), jnp.float32),
            pltpu.SemaphoreType.DMA((_NBUF,)),
            pltpu.SemaphoreType.DMA((_NBUF,)),
        ],
    )(_sc_body)
    return kern(table_flat, idx_flat)


def kernel(input_, tables):
    table_flat = tables.reshape(NUM_FIELDS * VOCAB, EMBED_DIM)
    idx_flat = input_.reshape(_N)
    out = _run(table_flat, idx_flat)
    return out.reshape(BATCH, NUM_FIELDS * EMBED_DIM)

# --- scband reference (transcript-rebuilt; emitter-appended) ---
"""Pipeline reference for scband-embedding-layer-81578608820663 (READ-ONLY COPY).

The authoritative reference and input builder live on the scoring server;
editing this copy changes nothing except your own understanding.
"""

import jax, jax.numpy as jnp
import numpy as np

NUM_FIELDS = 26
VOCAB = 100000
EMBED_DIM = 32
BATCH = 16384


def setup_inputs(seed: int = 0) -> dict:
    key = jax.random.key(seed)
    k_idx, k_tab = jax.random.split(key)
    # int64 per spec; jax default x64-disabled maps to int32, which is fine since VOCAB < 2**31
    input_ = jax.random.randint(k_idx, (BATCH, NUM_FIELDS), 0, VOCAB, dtype=jnp.int32)
    # 26 embedding tables, one per categorical field, stacked: [F, V, D]
    tables = jax.random.normal(k_tab, (NUM_FIELDS, VOCAB, EMBED_DIM), dtype=jnp.float32) * 0.01
    return {"input_": input_, "tables": tables}


def reference(input_, tables):
    # Faithful translation of EmbeddingLayer.forward with is_dict_input=False,
    # flatten_emb=True, all 26 features CATEGORICAL with feature_size=1.
    # For each feature: slice column f (the squeeze of the [B,1] slice), gather
    # from its embedding table, then concat along last dim.
    outputs = []
    for f in range(NUM_FIELDS):
        feature_value = input_[:, f]  # squeeze of input_[:, f:f+1]
        outputs.append(jnp.take(tables[f], feature_value, axis=0))
    return jnp.concatenate(outputs, axis=-1)  # [BATCH, NUM_FIELDS * EMBED_DIM]

if __name__ == "__main__":
    import jax
    _d = setup_inputs()
    print(jax.jit(kernel)(*tuple(_d.values())))

</pallas_src>

<mosaic_0001>
#map = affine_map<(d0, d1) -> (0, 0)>
#map1 = affine_map<(d0, d1) -> (0)>
module attributes {stable_mosaic.version = 14 : i64} {
  func.func @_sc_body(%arg0: i32, %arg1: i32, %arg2: memref<2600000x32xf32, #tpu.memory_space<hbm>>, %arg3: memref<425984xi32, #tpu.memory_space<hbm>>, %arg4: memref<425984x32xf32, #tpu.memory_space<hbm>>, %arg5: memref<13312xi32, #tpu.memory_space<vmem>>, %arg6: memref<13312xi32, #tpu.memory_space<vmem>>, %arg7: memref<4x128x32xf32, #tpu.memory_space<vmem>>, %arg8: memref<4x!tpu.dma_semaphore, #tpu.memory_space<semaphore_mem>>, %arg9: memref<4x!tpu.dma_semaphore, #tpu.memory_space<semaphore_mem>>) attributes {dimension_semantics = [#tpu.dimension_semantics<core_parallel>, #tpu.dimension_semantics<subcore_parallel>], iteration_bounds = array<i64: 2, 16>, scalar_prefetch = 0 : i64, scratch_operands = 5 : i64, tpu.core_type = #tpu.core_type<sc_vector_subcore>, window_params = [{transform_indices = #map}, {transform_indices = #map1}, {transform_indices = #map}]} {
    %mul3A = arith.constant 2 : i32
    %mul3A_0 = arith.muli %arg1, %mul3A : i32
    %add3A = arith.addi %mul3A_0, %arg0 : i32
    %mul3A_1 = arith.constant 13312 : i32
    %mul3A_2 = arith.muli %add3A, %mul3A_1 : i32
    "tpu.region"() ({
      %run_scoped3A = tpu.sem_alloc : memref<!tpu.dma_semaphore, #tpu.memory_space<semaphore_mem>>
      %dma_start3A_84 = tpu.memref_slice %arg3[%mul3A_2] : memref<425984xi32, #tpu.memory_space<hbm>> -> memref<13312xi32, #tpu.memory_space<hbm>>
      %dma_start3A_85 = tpu.memref_slice %arg3[%mul3A_2] : memref<425984xi32, #tpu.memory_space<hbm>> -> memref<13312xi32, #tpu.memory_space<hbm>>
      tpu.enqueue_dma source(%dma_start3A_85 : memref<13312xi32, #tpu.memory_space<hbm>>) target(%arg5 : memref<13312xi32, #tpu.memory_space<vmem>>) target_semaphore(%run_scoped3A : memref<!tpu.dma_semaphore, #tpu.memory_space<semaphore_mem>>)
      %dma_wait3A_86 = tpu.memref_slice %arg3[%mul3A_2] : memref<425984xi32, #tpu.memory_space<hbm>> -> memref<13312xi32, #tpu.memory_space<hbm>>
      %dma_wait3A_87 = tpu.memref_slice %arg3[%mul3A_2] : memref<425984xi32, #tpu.memory_space<hbm>> -> memref<13312xi32, #tpu.memory_space<hbm>>
      tpu.wait_dma2 semaphore(%run_scoped3A : memref<!tpu.dma_semaphore, #tpu.memory_space<semaphore_mem>>) src(%dma_wait3A_87 : memref<13312xi32, #tpu.memory_space<hbm>>) dst(%arg5 : memref<13312xi32, #tpu.memory_space<vmem>>)
      tpu.yield
    }) : () -> ()
    %iota3A = tpu.iota {dimensions = array<i32: 0>} : vector<16xi32>
    %scan3A = arith.constant 0 : i32
    %scan3A_3 = arith.constant 0 : i32
    %scan3A_4 = arith.constant 832 : i32
    %scan3A_5 = arith.addi %scan3A_3, %scan3A_4 : i32
    %scan3A_6 = arith.constant 1 : i32
    %scan3A_7 = scf.for %scan3A_84 = %scan3A_3 to %scan3A_5 step %scan3A_6 iter_args(%scan3A_85 = %scan3A) -> (i32)  : i32 {
      %mul3A_86 = arith.constant 16 : i32
      %mul3A_87 = arith.muli %scan3A_84, %mul3A_86 : i32
      %get3A = arith.index_cast %mul3A_87 : i32 to index
      %get3A_88 = tpu.vector_load %arg5[%get3A] {strides = array<i32>} : memref<13312xi32, #tpu.memory_space<vmem>>, vector<16xi32>,
      %get3A_89 = vector.shape_cast %get3A_88 : vector<16xi32> to vector<16xi32>
      %add3A_90 = vector.broadcast %mul3A_87 : i32 to vector<16xi32>
      %add3A_91 = arith.addi %add3A_90, %iota3A : vector<16xi32>
      %rem3A = arith.constant 26 : i32
      %rem3A_92 = vector.broadcast %rem3A : i32 to vector<16xi32>
      %rem3A_93 = arith.remsi %add3A_91, %rem3A_92 : vector<16xi32>
      %mul3A_94 = arith.constant 100000 : i32
      %mul3A_95 = vector.broadcast %mul3A_94 : i32 to vector<16xi32>
      %mul3A_96 = arith.muli %rem3A_93, %mul3A_95 : vector<16xi32>
      %add3A_97 = arith.addi %get3A_89, %mul3A_96 : vector<16xi32>
      %swap3A = arith.index_cast %mul3A_87 : i32 to index
      %swap3A_98 = tpu.vector_load %arg6[%swap3A] {strides = array<i32>} : memref<13312xi32, #tpu.memory_space<vmem>>, vector<16xi32>,
      %swap3A_99 = vector.shape_cast %swap3A_98 : vector<16xi32> to vector<16xi32>
      %swap3A_100 = vector.shape_cast %add3A_97 : vector<16xi32> to vector<16xi32>
      tpu.vector_store %arg6[%swap3A], %swap3A_100 {strides = array<i32>} : memref<13312xi32, #tpu.memory_space<vmem>>, vector<16xi32>,
      %scan3A_101 = arith.constant 0 : i32
      scf.yield %scan3A_101 : i32
    }
    %scan3A_8 = arith.constant 832 : i32
    %dma_start3A = arith.constant 0 : i32
    %dma_start3A_9 = arith.constant 0 : i32
    %dma_start3A_10 = arith.constant 0 : i32
    %dma_start3A_11 = arith.constant 0 : i32
    %dma_start3A_12 = tpu.memref_slice %arg7[%dma_start3A, %dma_start3A_10, %dma_start3A_11] : memref<4x128x32xf32, #tpu.memory_space<vmem>> -> memref<1x128x32xf32, #tpu.memory_space<vmem>>
    %dma_start3A_13 = tpu.memref_squeeze %dma_start3A_12 : memref<1x128x32xf32, #tpu.memory_space<vmem>> -> memref<128x32xf32, #tpu.memory_space<vmem>>
    %dma_start3A_14 = arith.constant 0 : i32
    %dma_start3A_15 = tpu.memref_slice %arg6[%dma_start3A_14] : memref<13312xi32, #tpu.memory_space<vmem>> -> memref<128xi32, #tpu.memory_space<vmem>>
    %dma_start3A_16 = arith.constant 0 : i32
    %dma_start3A_17 = arith.constant 0 : i32
    %dma_start3A_18 = tpu.memref_slice %arg2[%dma_start3A_16, %dma_start3A_17] : memref<2600000x32xf32, #tpu.memory_space<hbm>> -> memref<2600000x32xf32, #tpu.memory_space<hbm>>
    %dma_start3A_19 = tpu.memref_slice %arg8[%dma_start3A_9] : memref<4x!tpu.dma_semaphore, #tpu.memory_space<semaphore_mem>> -> memref<1x!tpu.dma_semaphore, #tpu.memory_space<semaphore_mem>>
    %dma_start3A_20 = tpu.memref_squeeze %dma_start3A_19 : memref<1x!tpu.dma_semaphore, #tpu.memory_space<semaphore_mem>> -> memref<!tpu.dma_semaphore, #tpu.memory_space<semaphore_mem>>
    tpu.enqueue_indirect_dma source(%dma_start3A_18 : memref<2600000x32xf32, #tpu.memory_space<hbm>>) target(%dma_start3A_13 : memref<128x32xf32, #tpu.memory_space<vmem>>) offsets(%dma_start3A_15 : memref<128xi32, #tpu.memory_space<vmem>>) semaphore(%dma_start3A_20 : memref<!tpu.dma_semaphore, #tpu.memory_space<semaphore_mem>>)
    %dma_start3A_21 = arith.constant 1 : i32
    %dma_start3A_22 = arith.constant 1 : i32
    %dma_start3A_23 = arith.constant 0 : i32
    %dma_start3A_24 = arith.constant 0 : i32
    %dma_start3A_25 = tpu.memref_slice %arg7[%dma_start3A_21, %dma_start3A_23, %dma_start3A_24] : memref<4x128x32xf32, #tpu.memory_space<vmem>> -> memref<1x128x32xf32, #tpu.memory_space<vmem>>
    %dma_start3A_26 = tpu.memref_squeeze %dma_start3A_25 : memref<1x128x32xf32, #tpu.memory_space<vmem>> -> memref<128x32xf32, #tpu.memory_space<vmem>>
    %dma_start3A_27 = arith.constant 128 : i32
    %dma_start3A_28 = tpu.memref_slice %arg6[%dma_start3A_27] : memref<13312xi32, #tpu.memory_space<vmem>> -> memref<128xi32, #tpu.memory_space<vmem>>
    %dma_start3A_29 = arith.constant 0 : i32
    %dma_start3A_30 = arith.constant 0 : i32
    %dma_start3A_31 = tpu.memref_slice %arg2[%dma_start3A_29, %dma_start3A_30] : memref<2600000x32xf32, #tpu.memory_space<hbm>> -> memref<2600000x32xf32, #tpu.memory_space<hbm>>
    %dma_start3A_32 = tpu.memref_slice %arg8[%dma_start3A_22] : memref<4x!tpu.dma_semaphore, #tpu.memory_space<semaphore_mem>> -> memref<1x!tpu.dma_semaphore, #tpu.memory_space<semaphore_mem>>
    %dma_start3A_33 = tpu.memref_squeeze %dma_start3A_32 : memref<1x!tpu.dma_semaphore, #tpu.memory_space<semaphore_mem>> -> memref<!tpu.dma_semaphore, #tpu.memory_space<semaphore_mem>>
    tpu.enqueue_indirect_dma source(%dma_start3A_31 : memref<2600000x32xf32, #tpu.memory_space<hbm>>) target(%dma_start3A_26 : memref<128x32xf32, #tpu.memory_space<vmem>>) offsets(%dma_start3A_28 : memref<128xi32, #tpu.memory_space<vmem>>) semaphore(%dma_start3A_33 : memref<!tpu.dma_semaphore, #tpu.memory_space<semaphore_mem>>)
    %dma_start3A_34 = arith.constant 2 : i32
    %dma_start3A_35 = arith.constant 2 : i32
    %dma_start3A_36 = arith.constant 0 : i32
    %dma_start3A_37 = arith.constant 0 : i32
    %dma_start3A_38 = tpu.memref_slice %arg7[%dma_start3A_34, %dma_start3A_36, %dma_start3A_37] : memref<4x128x32xf32, #tpu.memory_space<vmem>> -> memref<1x128x32xf32, #tpu.memory_space<vmem>>
    %dma_start3A_39 = tpu.memref_squeeze %dma_start3A_38 : memref<1x128x32xf32, #tpu.memory_space<vmem>> -> memref<128x32xf32, #tpu.memory_space<vmem>>
    %dma_start3A_40 = arith.constant 256 : i32
    %dma_start3A_41 = tpu.memref_slice %arg6[%dma_start3A_40] : memref<13312xi32, #tpu.memory_space<vmem>> -> memref<128xi32, #tpu.memory_space<vmem>>
    %dma_start3A_42 = arith.constant 0 : i32
    %dma_start3A_43 = arith.constant 0 : i32
    %dma_start3A_44 = tpu.memref_slice %arg2[%dma_start3A_42, %dma_start3A_43] : memref<2600000x32xf32, #tpu.memory_space<hbm>> -> memref<2600000x32xf32, #tpu.memory_space<hbm>>
    %dma_start3A_45 = tpu.memref_slice %arg8[%dma_start3A_35] : memref<4x!tpu.dma_semaphore, #tpu.memory_space<semaphore_mem>> -> memref<1x!tpu.dma_semaphore, #tpu.memory_space<semaphore_mem>>
    %dma_start3A_46 = tpu.memref_squeeze %dma_start3A_45 : memref<1x!tpu.dma_semaphore, #tpu.memory_space<semaphore_mem>> -> memref<!tpu.dma_semaphore, #tpu.memory_space<semaphore_mem>>
    tpu.enqueue_indirect_dma source(%dma_start3A_44 : memref<2600000x32xf32, #tpu.memory_space<hbm>>) target(%dma_start3A_39 : memref<128x32xf32, #tpu.memory_space<vmem>>) offsets(%dma_start3A_41 : memref<128xi32, #tpu.memory_space<vmem>>) semaphore(%dma_start3A_46 : memref<!tpu.dma_semaphore, #tpu.memory_space<semaphore_mem>>)
    %dma_start3A_47 = arith.constant 3 : i32
    %dma_start3A_48 = arith.constant 3 : i32
    %dma_start3A_49 = arith.constant 0 : i32
    %dma_start3A_50 = arith.constant 0 : i32
    %dma_start3A_51 = tpu.memref_slice %arg7[%dma_start3A_47, %dma_start3A_49, %dma_start3A_50] : memref<4x128x32xf32, #tpu.memory_space<vmem>> -> memref<1x128x32xf32, #tpu.memory_space<vmem>>
    %dma_start3A_52 = tpu.memref_squeeze %dma_start3A_51 : memref<1x128x32xf32, #tpu.memory_space<vmem>> -> memref<128x32xf32, #tpu.memory_space<vmem>>
    %dma_start3A_53 = arith.constant 384 : i32
    %dma_start3A_54 = tpu.memref_slice %arg6[%dma_start3A_53] : memref<13312xi32, #tpu.memory_space<vmem>> -> memref<128xi32, #tpu.memory_space<vmem>>
    %dma_start3A_55 = arith.constant 0 : i32
    %dma_start3A_56 = arith.constant 0 : i32
    %dma_start3A_57 = tpu.memref_slice %arg2[%dma_start3A_55, %dma_start3A_56] : memref<2600000x32xf32, #tpu.memory_space<hbm>> -> memref<2600000x32xf32, #tpu.memory_space<hbm>>
    %dma_start3A_58 = tpu.memref_slice %arg8[%dma_start3A_48] : memref<4x!tpu.dma_semaphore, #tpu.memory_space<semaphore_mem>> -> memref<1x!tpu.dma_semaphore, #tpu.memory_space<semaphore_mem>>
    %dma_start3A_59 = tpu.memref_squeeze %dma_start3A_58 : memref<1x!tpu.dma_semaphore, #tpu.memory_space<semaphore_mem>> -> memref<!tpu.dma_semaphore, #tpu.memory_space<semaphore_mem>>
    tpu.enqueue_indirect_dma source(%dma_start3A_57 : memref<2600000x32xf32, #tpu.memory_space<hbm>>) target(%dma_start3A_52 : memref<128x32xf32, #tpu.memory_space<vmem>>) offsets(%dma_start3A_54 : memref<128xi32, #tpu.memory_space<vmem>>) semaphore(%dma_start3A_59 : memref<!tpu.dma_semaphore, #tpu.memory_space<semaphore_mem>>)
    %scan3A_60 = arith.constant 0 : i32
    %scan3A_61 = arith.constant 0 : i32
    %scan3A_62 = arith.constant 104 : i32
    %scan3A_63 = arith.addi %scan3A_61, %scan3A_62 : i32
    %scan3A_64 = arith.constant 1 : i32
    %scan3A_65 = scf.for %scan3A_84 = %scan3A_61 to %scan3A_63 step %scan3A_64 iter_args(%scan3A_85 = %scan3A_60) -> (i32)  : i32 {
      %ge3A = arith.constant 1 : i32
      %ge3A_86 = arith.cmpi sge, %scan3A_84, %ge3A : i32
      %convert_element_type3A = arith.extui %ge3A_86 : i1 to i32
      %cond3A = arith.constant 0 : i32
      %cond3A_87 = arith.cmpi ne, %convert_element_type3A, %cond3A : i32
      scf.if %cond3A_87 {
        %sub3A = arith.constant 1 : i32
        %sub3A_127 = arith.subi %scan3A_84, %sub3A : i32
        %jit3A_128 = arith.constant 4 : i32
        %eq3A_129 = arith.constant 0 : i32
        %eq3A_130 = arith.cmpi eq, %jit3A_128, %eq3A_129 : i32
        %jit3A_131 = arith.constant 1 : i32
        %select_n3A_132 = arith.select %eq3A_130, %jit3A_131, %jit3A_128 : i32
        %rem3A_133 = arith.remsi %sub3A_127, %select_n3A_132 : i32
        %ne3A_134 = arith.constant 0 : i32
        %ne3A_135 = arith.cmpi ne, %rem3A_133, %ne3A_134 : i32
        %lt3A_136 = arith.constant 0 : i32
        %lt3A_137 = arith.cmpi slt, %rem3A_133, %lt3A_136 : i32
        %lt3A_138 = arith.constant 0 : i32
        %lt3A_139 = arith.cmpi slt, %select_n3A_132, %lt3A_138 : i32
        %ne3A_140 = arith.xori %lt3A_137, %lt3A_139 : i1
        %and3A_141 = arith.andi %ne3A_140, %ne3A_135 : i1
        %add3A_142 = arith.addi %rem3A_133, %select_n3A_132 : i32
        %select_n3A_143 = arith.select %and3A_141, %add3A_142, %rem3A_133 : i32
        %sub3A_144 = arith.constant 1 : i32
        %sub3A_145 = arith.subi %scan3A_84, %sub3A_144 : i32
        %mul3A_146 = arith.constant 128 : i32
        %mul3A_147 = arith.muli %sub3A_145, %mul3A_146 : i32
        %add3A_148 = arith.addi %mul3A_2, %mul3A_147 : i32
        %dma_wait3A_149 = arith.constant 0 : i32
        %dma_wait3A_150 = arith.constant 0 : i32
        %dma_wait3A_151 = tpu.memref_slice %arg7[%select_n3A_143, %dma_wait3A_149, %dma_wait3A_150] : memref<4x128x32xf32, #tpu.memory_space<vmem>> -> memref<1x128x32xf32, #tpu.memory_space<vmem>>
        %dma_wait3A_152 = tpu.memref_squeeze %dma_wait3A_151 : memref<1x128x32xf32, #tpu.memory_space<vmem>> -> memref<128x32xf32, #tpu.memory_space<vmem>>
        %dma_wait3A_153 = arith.constant 0 : i32
        %dma_wait3A_154 = tpu.memref_slice %arg4[%add3A_148, %dma_wait3A_153] : memref<425984x32xf32, #tpu.memory_space<hbm>> -> memref<128x32xf32, #tpu.memory_space<hbm>>
        %dma_wait3A_155 = tpu.memref_slice %arg9[%select_n3A_143] : memref<4x!tpu.dma_semaphore, #tpu.memory_space<semaphore_mem>> -> memref<1x!tpu.dma_semaphore, #tpu.memory_space<semaphore_mem>>
        %dma_wait3A_156 = tpu.memref_squeeze %dma_wait3A_155 : memref<1x!tpu.dma_semaphore, #tpu.memory_space<semaphore_mem>> -> memref<!tpu.dma_semaphore, #tpu.memory_space<semaphore_mem>>
        %dma_wait3A_157 = arith.constant 0 : i32
        %dma_wait3A_158 = tpu.memref_slice %arg4[%add3A_148, %dma_wait3A_157] : memref<425984x32xf32, #tpu.memory_space<hbm>> -> memref<128x32xf32, #tpu.memory_space<hbm>>
        %dma_wait3A_159 = arith.constant 0 : i32
        %dma_wait3A_160 = arith.constant 0 : i32
        %dma_wait3A_161 = tpu.memref_slice %arg7[%select_n3A_143, %dma_wait3A_159, %dma_wait3A_160] : memref<4x128x32xf32, #tpu.memory_space<vmem>> -> memref<1x128x32xf32, #tpu.memory_space<vmem>>
        %dma_wait3A_162 = tpu.memref_squeeze %dma_wait3A_161 : memref<1x128x32xf32, #tpu.memory_space<vmem>> -> memref<128x32xf32, #tpu.memory_space<vmem>>
        tpu.wait_dma2 semaphore(%dma_wait3A_156 : memref<!tpu.dma_semaphore, #tpu.memory_space<semaphore_mem>>) src(%dma_wait3A_162 : memref<128x32xf32, #tpu.memory_space<vmem>>) dst(%dma_wait3A_158 : memref<128x32xf32, #tpu.memory_space<hbm>>)
        %sub3A_163 = arith.constant 1 : i32
        %sub3A_164 = arith.subi %scan3A_84, %sub3A_163 : i32
        %add3A_165 = arith.constant 4 : i32
        %add3A_166 = arith.addi %sub3A_164, %add3A_165 : i32
        %lt3A_167 = arith.constant 104 : i32
        %lt3A_168 = arith.cmpi slt, %add3A_166, %lt3A_167 : i32
        %convert_element_type3A_169 = arith.extui %lt3A_168 : i1 to i32
        %cond3A_170 = arith.constant 0 : i32
        %cond3A_171 = arith.cmpi ne, %convert_element_type3A_169, %cond3A_170 : i32
        scf.if %cond3A_171 {
          %sub3A_172 = arith.constant 1 : i32
          %sub3A_173 = arith.subi %scan3A_84, %sub3A_172 : i32
          %add3A_174 = arith.constant 4 : i32
          %add3A_175 = arith.addi %sub3A_173, %add3A_174 : i32
          %mul3A_176 = arith.constant 128 : i32
          %mul3A_177 = arith.muli %add3A_175, %mul3A_176 : i32
          %dma_start3A_178 = arith.constant 0 : i32
          %dma_start3A_179 = arith.constant 0 : i32
          %dma_start3A_180 = tpu.memref_slice %arg7[%select_n3A_143, %dma_start3A_178, %dma_start3A_179] : memref<4x128x32xf32, #tpu.memory_space<vmem>> -> memref<1x128x32xf32, #tpu.memory_space<vmem>>
          %dma_start3A_181 = tpu.memref_squeeze %dma_start3A_180 : memref<1x128x32xf32, #tpu.memory_space<vmem>> -> memref<128x32xf32, #tpu.memory_space<vmem>>
          %dma_start3A_182 = tpu.memref_slice %arg6[%mul3A_177] : memref<13312xi32, #tpu.memory_space<vmem>> -> memref<128xi32, #tpu.memory_space<vmem>>
          %dma_start3A_183 = arith.constant 0 : i32
          %dma_start3A_184 = arith.constant 0 : i32
          %dma_start3A_185 = tpu.memref_slice %arg2[%dma_start3A_183, %dma_start3A_184] : memref<2600000x32xf32, #tpu.memory_space<hbm>> -> memref<2600000x32xf32, #tpu.memory_space<hbm>>
          %dma_start3A_186 = tpu.memref_slice %arg8[%select_n3A_143] : memref<4x!tpu.dma_semaphore, #tpu.memory_space<semaphore_mem>> -> memref<1x!tpu.dma_semaphore, #tpu.memory_space<semaphore_mem>>
          %dma_start3A_187 = tpu.memref_squeeze %dma_start3A_186 : memref<1x!tpu.dma_semaphore, #tpu.memory_space<semaphore_mem>> -> memref<!tpu.dma_semaphore, #tpu.memory_space<semaphore_mem>>
          tpu.enqueue_indirect_dma source(%dma_start3A_185 : memref<2600000x32xf32, #tpu.memory_space<hbm>>) target(%dma_start3A_181 : memref<128x32xf32, #tpu.memory_space<vmem>>) offsets(%dma_start3A_182 : memref<128xi32, #tpu.memory_space<vmem>>) semaphore(%dma_start3A_187 : memref<!tpu.dma_semaphore, #tpu.memory_space<semaphore_mem>>)
        } else {
        }
      } else {
      }
      %jit3A = arith.constant 4 : i32
      %eq3A = arith.constant 0 : i32
      %eq3A_88 = arith.cmpi eq, %jit3A, %eq3A : i32
      %jit3A_89 = arith.constant 1 : i32
      %select_n3A = arith.select %eq3A_88, %jit3A_89, %jit3A : i32
      %rem3A = arith.remsi %scan3A_84, %select_n3A : i32
      %ne3A = arith.constant 0 : i32
      %ne3A_90 = arith.cmpi ne, %rem3A, %ne3A : i32
      %lt3A = arith.constant 0 : i32
      %lt3A_91 = arith.cmpi slt, %rem3A, %lt3A : i32
      %lt3A_92 = arith.constant 0 : i32
      %lt3A_93 = arith.cmpi slt, %select_n3A, %lt3A_92 : i32
      %ne3A_94 = arith.xori %lt3A_91, %lt3A_93 : i1
      %and3A = arith.andi %ne3A_94, %ne3A_90 : i1
      %add3A_95 = arith.addi %rem3A, %select_n3A : i32
      %select_n3A_96 = arith.select %and3A, %add3A_95, %rem3A : i32
      %mul3A_97 = arith.constant 128 : i32
      %mul3A_98 = arith.muli %scan3A_84, %mul3A_97 : i32
      %dma_wait3A_99 = arith.constant 0 : i32
      %dma_wait3A_100 = arith.constant 0 : i32
      %dma_wait3A_101 = tpu.memref_slice %arg7[%select_n3A_96, %dma_wait3A_99, %dma_wait3A_100] : memref<4x128x32xf32, #tpu.memory_space<vmem>> -> memref<1x128x32xf32, #tpu.memory_space<vmem>>
      %dma_wait3A_102 = tpu.memref_squeeze %dma_wait3A_101 : memref<1x128x32xf32, #tpu.memory_space<vmem>> -> memref<128x32xf32, #tpu.memory_space<vmem>>
      %dma_wait3A_103 = tpu.memref_slice %arg6[%mul3A_98] : memref<13312xi32, #tpu.memory_space<vmem>> -> memref<128xi32, #tpu.memory_space<vmem>>
      %dma_wait3A_104 = arith.constant 0 : i32
      %dma_wait3A_105 = arith.constant 0 : i32
      %dma_wait3A_106 = tpu.memref_slice %arg2[%dma_wait3A_104, %dma_wait3A_105] : memref<2600000x32xf32, #tpu.memory_space<hbm>> -> memref<2600000x32xf32, #tpu.memory_space<hbm>>
      %dma_wait3A_107 = tpu.memref_slice %arg8[%select_n3A_96] : memref<4x!tpu.dma_semaphore, #tpu.memory_space<semaphore_mem>> -> memref<1x!tpu.dma_semaphore, #tpu.memory_space<semaphore_mem>>
      %dma_wait3A_108 = tpu.memref_squeeze %dma_wait3A_107 : memref<1x!tpu.dma_semaphore, #tpu.memory_space<semaphore_mem>> -> memref<!tpu.dma_semaphore, #tpu.memory_space<semaphore_mem>>
      tpu.wait_indirect_dma semaphore(%dma_wait3A_108 : memref<!tpu.dma_semaphore, #tpu.memory_space<semaphore_mem>>) src(%dma_wait3A_106 : memref<2600000x32xf32, #tpu.memory_space<hbm>>) dst(%dma_wait3A_102 : memref<128x32xf32, #tpu.memory_space<vmem>>)
      %mul3A_109 = arith.constant 128 : i32
      %mul3A_110 = arith.muli %scan3A_84, %mul3A_109 : i32
      %add3A_111 = arith.addi %mul3A_2, %mul3A_110 : i32
      %dma_start3A_112 = arith.constant 0 : i32
      %dma_start3A_113 = arith.constant 0 : i32
      %dma_start3A_114 = tpu.memref_slice %arg7[%select_n3A_96, %dma_start3A_112, %dma_start3A_113] : memref<4x128x32xf32, #tpu.memory_space<vmem>> -> memref<1x128x32xf32, #tpu.memory_space<vmem>>
      %dma_start3A_115 = tpu.memref_squeeze %dma_start3A_114 : memref<1x128x32xf32, #tpu.memory_space<vmem>> -> memref<128x32xf32, #tpu.memory_space<vmem>>
      %dma_start3A_116 = arith.constant 0 : i32
      %dma_start3A_117 = tpu.memref_slice %arg4[%add3A_111, %dma_start3A_116] : memref<425984x32xf32, #tpu.memory_space<hbm>> -> memref<128x32xf32, #tpu.memory_space<hbm>>
      %dma_start3A_118 = tpu.memref_slice %arg9[%select_n3A_96] : memref<4x!tpu.dma_semaphore, #tpu.memory_space<semaphore_mem>> -> memref<1x!tpu.dma_semaphore, #tpu.memory_space<semaphore_mem>>
      %dma_start3A_119 = tpu.memref_squeeze %dma_start3A_118 : memref<1x!tpu.dma_semaphore, #tpu.memory_space<semaphore_mem>> -> memref<!tpu.dma_semaphore, #tpu.memory_space<semaphore_mem>>
      %dma_start3A_120 = arith.constant 0 : i32
      %dma_start3A_121 = tpu.memref_slice %arg4[%add3A_111, %dma_start3A_120] : memref<425984x32xf32, #tpu.memory_space<hbm>> -> memref<128x32xf32, #tpu.memory_space<hbm>>
      %dma_start3A_122 = arith.constant 0 : i32
      %dma_start3A_123 = arith.constant 0 : i32
      %dma_start3A_124 = tpu.memref_slice %arg7[%select_n3A_96, %dma_start3A_122, %dma_start3A_123] : memref<4x128x32xf32, #tpu.memory_space<vmem>> -> memref<1x128x32xf32, #tpu.memory_space<vmem>>
      %dma_start3A_125 = tpu.memref_squeeze %dma_start3A_124 : memref<1x128x32xf32, #tpu.memory_space<vmem>> -> memref<128x32xf32, #tpu.memory_space<vmem>>
      tpu.enqueue_dma source(%dma_start3A_125 : memref<128x32xf32, #tpu.memory_space<vmem>>) target(%dma_start3A_121 : memref<128x32xf32, #tpu.memory_space<hbm>>) target_semaphore(%dma_start3A_119 : memref<!tpu.dma_semaphore, #tpu.memory_space<semaphore_mem>>)
      %scan3A_126 = arith.constant 0 : i32
      scf.yield %scan3A_126 : i32
    }
    %scan3A_66 = arith.constant 104 : i32
    %add3A_67 = arith.constant 13184 : i32
    %add3A_68 = arith.addi %mul3A_2, %add3A_67 : i32
    %dma_wait3A = arith.constant 3 : i32
    %dma_wait3A_69 = arith.constant 3 : i32
    %dma_wait3A_70 = arith.constant 0 : i32
    %dma_wait3A_71 = arith.constant 0 : i32
    %dma_wait3A_72 = tpu.memref_slice %arg7[%dma_wait3A, %dma_wait3A_70, %dma_wait3A_71] : memref<4x128x32xf32, #tpu.memory_space<vmem>> -> memref<1x128x32xf32, #tpu.memory_space<vmem>>
    %dma_wait3A_73 = tpu.memref_squeeze %dma_wait3A_72 : memref<1x128x32xf32, #tpu.memory_space<vmem>> -> memref<128x32xf32, #tpu.memory_space<vmem>>
    %dma_wait3A_74 = arith.constant 0 : i32
    %dma_wait3A_75 = tpu.memref_slice %arg4[%add3A_68, %dma_wait3A_74] : memref<425984x32xf32, #tpu.memory_space<hbm>> -> memref<128x32xf32, #tpu.memory_space<hbm>>
    %dma_wait3A_76 = tpu.memref_slice %arg9[%dma_wait3A_69] : memref<4x!tpu.dma_semaphore, #tpu.memory_space<semaphore_mem>> -> memref<1x!tpu.dma_semaphore, #tpu.memory_space<semaphore_mem>>
    %dma_wait3A_77 = tpu.memref_squeeze %dma_wait3A_76 : memref<1x!tpu.dma_semaphore, #tpu.memory_space<semaphore_mem>> -> memref<!tpu.dma_semaphore, #tpu.memory_space<semaphore_mem>>
    %dma_wait3A_78 = arith.constant 0 : i32
    %dma_wait3A_79 = tpu.memref_slice %arg4[%add3A_68, %dma_wait3A_78] : memref<425984x32xf32, #tpu.memory_space<hbm>> -> memref<128x32xf32, #tpu.memory_space<hbm>>
    %dma_wait3A_80 = arith.constant 0 : i32
    %dma_wait3A_81 = arith.constant 0 : i32
    %dma_wait3A_82 = tpu.memref_slice %arg7[%dma_wait3A, %dma_wait3A_80, %dma_wait3A_81] : memref<4x128x32xf32, #tpu.memory_space<vmem>> -> memref<1x128x32xf32, #tpu.memory_space<vmem>>
    %dma_wait3A_83 = tpu.memref_squeeze %dma_wait3A_82 : memref<1x128x32xf32, #tpu.memory_space<vmem>> -> memref<128x32xf32, #tpu.memory_space<vmem>>
    tpu.wait_dma2 semaphore(%dma_wait3A_77 : memref<!tpu.dma_semaphore, #tpu.memory_space<semaphore_mem>>) src(%dma_wait3A_83 : memref<128x32xf32, #tpu.memory_space<vmem>>) dst(%dma_wait3A_79 : memref<128x32xf32, #tpu.memory_space<hbm>>)
    return
  }
}

</mosaic_0001>

<sc_bundles>
// kernel: _run.3.cloned.1.call-start
scs
__scs_entry_jumppad:
0x0: {  	(pc) =	sbr.rel $0x88, $3  }
0x1: {  	(tag) =	ssettag $0x0;
	lr =	simm.s32 $0x1  }
0x2: {  	[smem:$0x3F9F] =	sst lr;
	_ =	strace $0xD0000000  }
0x3: {  	_ = 	snop  }
0x4: {  	_ = 	snop  }
0x5: {  	_ = 	snop  }
0x6: {  	_ = 	snop  }
0x7: {  	_ = 	snop  }
__scs_overlays_trampoline_lowered:
0x8: {  	[smem:$0x3FAE] =	sst s0  }
0x9: {  	[smem:$0x3FAF] =	sst s1  }
0xa: {  	[smem:$0x3FB0] =	sst s2  }
0xb: {  	[smem:$0x3FB1] =	sst s3  }
0xc: {  	[smem:$0x3FB2] =	sst s4  }
0xd: {  	[smem:$0x3FB3] =	sst s5  }
0xe: {  	[smem:$0x3FB4] =	sst s6  }
0xf: {  	[smem:$0x3FB5] =	sst s7  }
0x10: {  	[smem:$0x3FB6] =	sst s8  }
0x11: {  	[smem:$0x3FB7] =	sst s9;
	s0 =	simm.s32 @!p0 $0x0  }
0x12: {  	s1 =	sld [smem:$0x3F9D];
	s0 =	simm.s32 @p0 $0x1  }
0x13: {  	[smem:$0x3FB8] =	sst s0;
	s0 =	simm.s32 @!p1 $0x0  }
0x14: {  	s2 =	sld [smem:$0x3F9C];
	s0 =	simm.s32 @p1 $0x1  }
0x15: {  	[smem:$0x3FB9] =	sst s0;
	s0 =	simm.s32 @!p2 $0x0  }
0x16: {  	s3 =	sld [smem:$0x3FDB];
	s0 =	simm.s32 @p2 $0x1  }
0x17: {  	s4 =	simm.s32 $0x1BF5;
	[smem:$0x3FBB] =	sst s0  }
0x18: {  	s0 =	sld [smem:$0x3F9E];
	_ =	swait.ge [sflag:s4], $0x0  }
0x19: {  	s7 =	sld [smem:$0x3F9F]  }
0x1a: {  	s8 =	sadd.s32 $0xFFFFE003, lr  }
0x1b: {  	s9 =	sadd.s32 $0xFFFFFEF7, lr;
	s5 =	simm.s32 $0xFFFFFFFF;
	p2 =	slt.u32 s8, $0xFFFFF086  }
0x1c: {  	p1 =	slt.u32 s9, $0xF7A;
	s5 =	simm.s32 @!p2 $0x0  }
0x1d: {  	s5 =	simm.s32 @p1 $0x1;
	p0 =	seq.s32 s7, s2  }
0x1e: {  	s7 =	smul.u32 @!p0 $0xF7A, s2;
	p2 =	seq.s32 @!p0 s5, $0x0  }
0x1f: {  	s9 =	smul.u32 $0xF7A, s1;
	s8 =	simm.s32 @!p0 $0x1BF5;
	p2 =	por !p2, p0  }
0x20: {  	[sflag:s8] =	ssyncset.s32 @!p0 $0xFFFFF086;
	s6 =	sadd.s32 @!p0 s3, s7;
	s7 =	simm.s32 @!p0 $0x108  }
0x21: {  	s3 =	sadd.s32 s3, s9;
	s6 =	sadd.s32 @!p0 $0x88, s6;
	s7 =	simm.s32 @p2 $0x1082  }
0x22: {  	[simem:s7], [sflag:s8] =	dma.local @!p0 [hbm:s6], $0xF7A  }
0x23: {  	s9 =	sor.u32 $0xD0000000, s2;
	s6 =	simm.s32 $0x108;
	_ =	swait.ge @!p0 [sflag:s8], $0x0  }
0x24: {  	s3 =	sadd.s32 $0x88, s3;
	s6 =	simm.s32 @!p1 $0x1082;
	[sflag:s4] =	ssyncset.s32 $0xFFFFF086  }
0x25: {  	[simem:s6], [sflag:s4] =	dma.local [hbm:s3], $0xF7A  }
0x26: {  	[smem:$0x3F9F] =	sst s1;
	(tag) =	ssettag s2;
	_ =	strace s9  }
0x27: {  	s1 =	sld [smem:$0x3FAF]  }
0x28: {  	s2 =	sld [smem:$0x3FB0]  }
0x29: {  	s4 =	sld [smem:$0x3FB2]  }
0x2a: {  	p0 =	seq.s32 s5, $0x0;
	s5 =	sld [smem:$0x3FB3]  }
0x2b: {  	s6 =	sld [smem:$0x3FB4]  }
0x2c: {  	s7 =	sld [smem:$0x3FB5]  }
0x2d: {  	s3 =	simm.s32 $0x108;
	s8 =	sld [smem:$0x3FB6]  }
0x2e: {  	s3 =	simm.s32 @!p0 $0x1082;
	s9 =	sld [smem:$0x3FB7]  }
0x2f: {  	lr =	sadd.s32 s0, s3;
	s0 =	sld [smem:$0x3FAE]  }
0x30: {  	s3 =	sld [smem:$0x3FB1]  }
0x31: {  	[smem:$0x3FBA] =	sst s10  }
0x32: {  	s10 =	sld [smem:$0x3FB8];
	_ =	sdelay $0x3  }
0x33: {  	p0 =	seq.s32 s10, $0x1;
	s10 =	sld [smem:$0x3FBA];
	_ =	sdelay $0x3  }
0x34: {  	[smem:$0x3FBA] =	sst s10  }
0x35: {  	s10 =	sld [smem:$0x3FB9];
	_ =	sdelay $0x3  }
0x36: {  	p1 =	seq.s32 s10, $0x1;
	s10 =	sld [smem:$0x3FBA];
	_ =	sdelay $0x3  }
0x37: {  	[smem:$0x3FBA] =	sst s10  }
0x38: {  	s10 =	sld [smem:$0x3FBB]  }
0x39: {  	_ = 	snop;
	(pc) =	sbr.ind lr, $3  }
0x3a: {  	_ = 	snop  }
0x3b: {  	_ = 	snop  }
0x3c: {  	p2 =	seq.s32 s10, $0x1;
	s10 =	sld [smem:$0x3FBA]  }
0x3d: {  	_ =	shalt  }
0x3e: {  	_ =	shalt  }
0x3f: {  	_ =	shalt  }
0x40: {  	_ =	shalt  }
0x41: {  	_ =	shalt  }
0x42: {  	_ =	shalt  }
0x43: {  	_ =	shalt  }
0x44: {  	_ =	shalt  }
0x45: {  	_ =	shalt  }
0x46: {  	_ =	shalt  }
0x47: {  	_ =	shalt  }
0x48: {  	_ =	shalt  }
0x49: {  	_ =	shalt  }
0x4a: {  	_ =	shalt  }
0x4b: {  	_ =	shalt  }
0x4c: {  	_ =	shalt  }
0x4d: {  	_ =	shalt  }
0x4e: {  	_ =	shalt  }
0x4f: {  	_ =	shalt  }
0x50: {  	_ =	shalt  }
0x51: {  	_ =	shalt  }
0x52: {  	_ =	shalt  }
0x53: {  	_ =	shalt  }
0x54: {  	_ =	shalt  }
0x55: {  	_ =	shalt  }
0x56: {  	_ =	shalt  }
0x57: {  	_ =	shalt  }
0x58: {  	_ =	shalt  }
0x59: {  	_ =	shalt  }
0x5a: {  	_ =	shalt  }
0x5b: {  	_ =	shalt  }
0x5c: {  	_ =	shalt  }
0x5d: {  	_ =	shalt  }
0x5e: {  	_ =	shalt  }
0x5f: {  	_ =	shalt  }
0x60: {  	_ =	shalt  }
0x61: {  	_ =	shalt  }
0x62: {  	_ =	shalt  }
0x63: {  	_ =	shalt  }
0x64: {  	_ =	shalt  }
0x65: {  	_ =	shalt  }
0x66: {  	_ =	shalt  }
0x67: {  	_ =	shalt  }
0x68: {  	_ =	shalt  }
0x69: {  	_ =	shalt  }
0x6a: {  	_ =	shalt  }
0x6b: {  	_ =	shalt  }
0x6c: {  	_ =	shalt  }
0x6d: {  	_ =	shalt  }
0x6e: {  	_ =	shalt  }
0x6f: {  	_ =	shalt  }
0x70: {  	_ =	shalt  }
0x71: {  	_ =	shalt  }
0x72: {  	_ =	shalt  }
0x73: {  	_ =	shalt  }
0x74: {  	_ =	shalt  }
0x75: {  	_ =	shalt  }
0x76: {  	_ =	shalt  }
0x77: {  	_ =	shalt  }
0x78: {  	_ =	shalt  }
0x79: {  	_ =	shalt  }
0x7a: {  	_ =	shalt  }
0x7b: {  	_ =	shalt  }
0x7c: {  	_ =	shalt  }
0x7d: {  	_ =	shalt  }
0x7e: {  	_ =	shalt  }
0x7f: {  	_ =	shalt  }
0x80: {  	_ =	shalt  }
0x81: {  	_ =	shalt  }
0x82: {  	_ =	shalt  }
0x83: {  	_ =	shalt  }
0x84: {  	_ =	shalt  }
0x85: {  	_ =	shalt  }
0x86: {  	_ =	shalt  }
0x87: {  	_ =	shalt  }
.Lfunc_end0:
.L_simem_size_0:
called_computation.1_lowered:
.L_overlay_start_0:
0x88: {  	s2 =	sld [smem:$0x3FD9]  }
0x89: {  	s3 =	sld [smem:$0x3FFE];
	_ =	sdelay $0x1  }
0x8a: {  	s1 =	srdreg.scid  }
0x8b: {  	s0 =	sand.u32 $0x1, s1  }
0x8c: {  	s17 =	sshll.u32 s0, $0xA;
	s2 =	sadd.s32 s3, s2  }
0x8d: {  	s2 =	sadd.s32 s2, s17  }
0x8e: {  	[smem:$0x3FC6] =	sst s2  }
0x8f: {  	_ = 	snop  }
0x90: {  	s2 =	sld [smem:$0x3FC8]  }
0x91: {  	s18 =	sld [smem:$0x3FD0];
	(tm) =	ssettm $0x1  }
0x92: {  	s4 =	sld [smem:$0x3FFB];
	_ =	sdelay $0x3  }
0x93: {  	_ =	strace s4  }
0x94: {  	s4 =	sld [smem:$0x3FFC];
	_ =	sdelay $0x3  }
0x95: {  	_ =	strace s4  }
0x96: {  	s4 =	sld [smem:$0x3FFD];
	_ =	sdelay $0x3  }
0x97: {  	_ =	strace s4  }
0x98: {  	_ =	strace $0x8FFFFFFF  }
0x99: {  	s19 =	sld [smem:$0x3FDB];
	_ =	sdelay $0x1  }
0x9a: {  	s5 =	simm.s32 $_scs_section_size  }
0x9b: {  	s6 =	simm.s32 $_size__tile_overlayer_lowered;
	s7 =	simm.s32 $_tile_overlayer_lowered  }
0x9c: {  	s22 =	simm.s32 $0x1BFF;
	s21 =	sshll.u32 s7, $0x1;
	s4 =	sadd.s32 s5, s19  }
0x9d: {  	s8 =	simm.s32 $0x0;
	s20 =	sshll.u32 s6, $0x1;
	s6 =	sadd.s32 s21, s4  }
0x9e: {  	[timem:s8], [sflag:s22] =	dma.local [hbm:s6], s20  }
0x9f: {  	_ =	swait.ge [sflag:s22], s20  }
0xa0: {  	s5 =	ssub.s32 $0x0, s20;
	[sflag:s22] =	ssyncset.done $0x0  }
0xa1: {  	[sflag:s22] =	ssyncadd.s32 s5;
	_ =	sdelay $0x1  }
0xa2: {  	s23 =	simm.s32 $0x1B8B  }
0xa3: {  	_ =	swait.ge [sflag:s23], $0x1  }
0xa4: {  	[sflag:s23] =	ssyncset.done $0x0  }
0xa5: {  	s25 =	simm.s32 $0x1B8E;
	s24 =	sld [smem:$0x3FFE];
	[sflag:s23] =	ssyncadd.s32 $0xFFFFFFFF  }
0xa6: {  	s26 =	simm.s32 $execute0_lowered;
	[smem:$0x3FD2] =	sst s25  }
0xa7: {  	s6 =	sshll.u32 s26, $0x1;
	_ =	strace $0x80000046;
	[dreg:$0x1] =	wrdreg $0xFFFFFFFF  }
0xa8: {  	s28 =	simm.s32 $_size_execute0_lowered;
	s4 =	sadd.s32 s4, s6;
	[dreg:$0x0] =	wrdreg $0x0  }
0xa9: {  	s6 =	sshll.u32 s28, $0x1;
	[dreg:$0x2] =	wrdreg s4  }
0xaa: {  	[dreg:$0x3] =	wrdreg s6  }
0xab: {  	[dreg:$0x4] =	wrdreg $0xC0  }
0xac: {  	_ =	task [dreg:s8], $0x5FFFF  }
0xad: {  	[dreg:$0x1] =	wrdreg $0xFFFFFFFF  }
0xae: {  	[dreg:$0x0] =	wrdreg $0x60  }
0xaf: {  	[dreg:$0x2] =	wrdreg s24  }
0xb0: {  	[dreg:$0x3] =	wrdreg s2  }
0xb1: {  	[dreg:$0x4] =	wrdreg s18  }
0xb2: {  	[dreg:$0x5] =	wrdreg $0x9  }
0xb3: {  	_ =	task.clear_ibuf [dreg:s8], $0x6FFFF;
	_ =	strace $0x90000046  }
0xb4: {  	s29 =	simm.s32 $0x9;
	_ =	strace $0x80000048  }
0xb5: {  	_ =	swait.ge [sflag:s29], $0x1  }
0xb6: {  	[sflag:s29] =	ssyncadd.s32 $0xFFFFFFFF  }
0xb7: {  	_ =	strace $0x90000048  }
0xb8: {  	_ =	sfence  }
0xb9: {  	s30 =	sld [smem:$0x0];
	_ =	sdelay $0x2  }
0xba: {  	s31 =	sshll.u32 s1, $0xD;
	s1 =	sshrl.u32 s1, $0x2  }
0xbb: {  	s3 =	sand.u32 $0x4000, s31;
	s1 =	sadd.s32 s1, s30  }
0xbc: {  	s0 =	sor.u32 s3, s0;
	s1 =	sshll.u32 s1, $0x11  }
0xbd: {  	s0 =	sor.u32 s1, s0  }
0xbe: {  	s0 =	sadd.s32 $0x8F2B, s0  }
0xbf: {  	[sflag:s0] =	ssyncadd.remote.s32 $0x1  }
0xc0: {  	_ =	sfence.sel $0xFFFF  }
0xc1: {  	[dreg:$0x0] =	wrdreg $0xFFFFFFFF;
	(pc) =	sbr.abs _section_cstart, $3  }
0xc2: {  	[dreg:$0x1] =	wrdreg $0xFFFFFFFF  }
0xc3: {  	_ =	task.clear_ibuf [dreg:s8], $0x2FFFF;
	_ =	strace $0x9FFFFFFF  }
0xc4: {  	(tm) =	ssettm $0x7FFFFFFF  }
0xc5: {  	_ =	shalt  }
tec
execute0_lowered:
.L_overlay_start_1:
0x0: {  	(tag) =	ssettag $0x1  }
0x1: {  	s3 =	rddreg [dreg:$0x0]  }
0x2: {  	s4 =	rddreg [dreg:$0x1]  }
0x3: {  	s7 =	rddreg [dreg:$0x2]  }
0x4: {  	s0 =	rddreg [dreg:$0x3];
	s2 =	simm.s32 $0x0  }
0x5: {  	s5 =	srdreg.scid;
	s1 =	stileid.u32;
	s12 =	simm.s32 $0x3480  }
0x6: {  	s13 =	simm.s32 $0x7800;
	s14 =	simm.s32 $0x3500;
	s15 =	simm.s32 $0x8800  }
0x7: {  	s16 =	simm.s32 $0x3580;
	s17 =	simm.s32 $0x9800;
	s18 =	simm.s32 $0x1  }
0x8: {  	s19 =	simm.s32 $0x8;
	s20 =	simm.s32 $0x0;
	[smem:$0x7FF] =	sst s2  }
0x9: {  	s5 =	sand.u32 $0x1, s5;
	s6 =	sshll.u32 s1, $0x1;
	s8 =	smul.u32 $0xD0000, s1  }
0xa: {  	s3 =	sadd.s32 $0x27ACC00, s3;
	s6 =	sor.u32 s5, s6;
	s9 =	smul.u32 $0x68000, s5  }
0xb: {  	_ =	strace $0x80000047;
	s5 =	ssub.s32 $0x2, s5;
	s10 =	smul.u32 $0x680, s6  }
0xc: {  	s11 =	sshrl.u32 s5, $0x1;
	s6 =	smul.u32 $0x68000, s6;
	s8 =	sadd.s32 s9, s8  }
0xd: {  	s5 =	ssub.s32 s5, s11;
	s9 =	simm.s32 $0x80;
	s11 =	simm.s32 $0x6800  }
0xe: {  	s4 =	sadd.s32 s4, s10;
	s8 =	sor.u32 $0x1000, s8;
	s5 =	smax.u32 s5, $0x1  }
0xf: {  	s6 =	sshrl.u32 s6, $0x3;
	s10 =	simm.s32 $0x3400;
	s8 =	sshrl.u32 s8, $0x3  }
0x10: {  	v0 =	vlaneseq.u32;
	s6 =	sadd.s32 s7, s6;
	s7 =	sadd.s32 s8, s7;
	s8 =	simm.s32 $0x9  }
.LBB2_1:
0x11: {  	[tilespmem:s2], [sflag:$0x9] =	stream.linear.gather [hbm4b:s4+s2], $0x3400, $0x38;
	v1 =	vor.u32 s2, v0;
	[tilespmem:$0xA800] =	vst v63  }
0x12: {  	_ =	swait.ge [sflag:s8], $0x3400;
	v2 =	vmulhi.u32 $0x4EC4EC4F, v1  }
0x13: {  	[sflag:s8] =	ssyncset.done $0x0  }
0x14: {  	[sflag:s8] =	ssyncadd.s32 $0xFFFFCC00;
	v2 =	vshrl.u32 v2, $0x3  }
0x15: {  	s21 =	simm.s32 $0x10;
	v3 =	vld [tilespmem:s2+$0x0];
	v2 =	vmul.u32 $0x1A, v2  }
0x16: {  	v4 =	vor.u32 s21, v0  }
0x17: {  	v5 =	vmulhi.u32 $0x4EC4EC4F, v4;
	v1 =	vsub.s32 v1, v2  }
0x18: {  	v1 =	vmul.u32 $0x186A0, v1  }
0x19: {  	v2 =	vshrl.u32 v5, $0x3  }
0x1a: {  	v2 =	vmul.u32 $0x1A, v2;
	v1 =	vadd.s32 v1, v3  }
0x1b: {  	[tilespmem:s10+$0x0] =	vst v1  }
0x1c: {  	v3 =	vsub.s32 v4, v2;
	v2 =	vld [tilespmem:s21+$0x0];
	_ =	sdelay $0x1  }
0x1d: {  	s22 =	simm.s32 $0x20  }
0x1e: {  	s23 =	simm.s32 $0x30;
	v1 =	vor.u32 s22, v0;
	v3 =	vmul.u32 $0x186A0, v3;
	s22 =	simm.s32 $0x3400  }
.LBB2_2:
0x1f: {  	p0 =	sne.s32 s23, $0x33F0;
	v4 =	vmulhi.u32 $0x4EC4EC4F, v1  }
0x20: {  	s22 =	sadd.s32 $0x10, s22;
	v2 =	vadd.s32 v3, v2  }
.Ltmp0:
0x21: {  	s21 =	sadd.s32 $0x10, s21;
	v3 =	vshrl.u32 v4, $0x3;
	[tilespmem:s22+$0x0] =	vst v2;
	(pc) =	sbr.rel @p0 .LBB2_2-.Ltmp0, $3  }
0x22: {  	v2 =	vld [tilespmem:s21+$0x0];
	v3 =	vmul.u32 $0x1A, v3;
	_ =	sdelay $0x1  }
0x23: {  	v3 =	vsub.s32 v1, v3  }
0x24: {  	v1 =	vor.u32 s23, v0;
	s23 =	sadd.s32 $0x10, s23;
	v3 =	vmul.u32 $0x186A0, v3  }
0x25: {  	v4 =	vmulhi.u32 $0x4EC4EC4F, v1  }
0x26: {  	s22 =	sadd.s32 $0x10, s22;
	v2 =	vadd.s32 v3, v2  }
0x27: {  	s21 =	sadd.s32 $0x10, s21;
	v3 =	vshrl.u32 v4, $0x3;
	[tilespmem:s22+$0x0] =	vst v2  }
0x28: {  	v2 =	vld [tilespmem:s21+$0x0];
	v3 =	vmul.u32 $0x1A, v3;
	_ =	sdelay $0x1  }
0x29: {  	v1 =	vsub.s32 v1, v3  }
0x2a: {  	v1 =	vmul.u32 $0x186A0, v1;
	_ =	sdelay $0x1  }
0x2b: {  	s29 =	sadd.s32 $0x10, s22;
	v1 =	vadd.s32 v1, v2  }
0x2c: {  	[tilespmem:s29+$0x0] =	vst v1  }
0x2d: {  	[tilespmem:s11], [sflag:$0x1] =	stream.indirect.gather [hbm4b:s3+s9], $0x20, s10, s9, $0xb8;
	[tilespmem:$0xA800] =	vst v63  }
0x2e: {  	_ = 	snop  }
0x2f: {  	[tilespmem:s13], [sflag:$0x2] =	stream.indirect.gather [hbm4b:s3+s9], $0x20, s12, s9, $0xb8;
	[tilespmem:$0xA800] =	vst v63  }
0x30: {  	_ = 	snop  }
0x31: {  	[tilespmem:s15], [sflag:$0x3] =	stream.indirect.gather [hbm4b:s3+s9], $0x20, s14, s9, $0xb8;
	[tilespmem:$0xA800] =	vst v63  }
0x32: {  	_ = 	snop  }
0x33: {  	[tilespmem:s17], [sflag:$0x4] =	stream.indirect.gather [hbm4b:s3+s9], $0x20, s16, s9, $0xb8;
	[tilespmem:$0xA800] =	vst v63  }
0x34: {  	s30 =	simm.s32 $0x4;
	s23 =	simm.s32 $0x1;
	_ =	swait.ge [sflag:s18], $0x1000  }
0x35: {  	p0 =	por $0x0, $0x0;
	s22 =	sand.u32 $0x3, s30;
	[sflag:s18] =	ssyncset.done $0x0  }
0x36: {  	s26 =	sand.u32 $0x3, s23;
	s24 =	sadd.s32 $0x5, s22;
	[sflag:s18] =	ssyncadd.s32 $0xFFFFF000  }
0x37: {  	[hbm4b:s6+s2] =	stream.linear.scatter [tilespmem:s11], [sflag:$0x5], $0x1000, $0x38;
	[tilespmem:$0xA800] =	vst v63  }
0x38: {  	s25 =	simm.s32 @!p0 $0x80;
	s31 =	sshll.u32 s26, $0xC;
	_ =	swait.ge [sflag:s24], $0x1000  }
0x39: {  	s21 =	simm.s32 $0x3600;
	s23 =	sshll.u32 @!p0 s22, $0xC;
	[sflag:s24] =	ssyncset.done $0x0  }
0x3a: {  	s22 =	sadd.s32 @!p0 $0x1, s22;
	s23 =	sadd.s32 @!p0 $0x6800, s23;
	[sflag:s24] =	ssyncadd.s32 $0xFFFFF000  }
0x3b: {  	[tilespmem:s23], [sflag:s22] =	stream.indirect.gather @!p0 [hbm4b:s3+s25], $0x20, s21, s25, $0xb8;
	[tilespmem:$0xA800] =	vst v63  }
0x3c: {  	s28 =	sadd.s32 $0x6800, s31;
	s25 =	sadd.s32 $0x1, s26  }
0x3d: {  	s24 =	smov.u32 s7;
	s22 =	simm.s32 $0x5;
	_ =	swait.ge [sflag:s25], $0x1000  }
0x3e: {  	s23 =	sadd.s32 $0x200, s7;
	s26 =	sadd.s32 $0x5, s26;
	[sflag:s25] =	ssyncset.done $0x0  }
.LBB2_4:
0x3f: {  	[sflag:s25] =	ssyncadd.s32 $0xFFFFF000  }
0x40: {  	s21 =	sadd.s32 $0x80, s21;
	s25 =	smov.u32 s22;
	s22 =	sadd.s32 $0x1, s22  }
0x41: {  	[hbm4b:s24+s2] =	stream.linear.scatter [tilespmem:s28], [sflag:s26], $0x1000, $0x38;
	[tilespmem:$0xA800] =	vst v63  }
0x42: {  	s26 =	sand.u32 $0x3, s25  }
0x43: {  	p0 =	sne.s32 s22, $0x6B;
	s24 =	smov.u32 s23;
	s25 =	sadd.s32 $0xFFFFFFFD, s25  }
0x44: {  	s28 =	sadd.s32 $0x5, s26;
	p1 =	sgt.u32 s25, $0x64  }
0x45: {  	s29 =	sand.u32 $0x3, s25;
	s25 =	sshll.u32 @!p1 s26, $0xC;
	_ =	swait.ge [sflag:s28], $0x1000  }
0x46: {  	s30 =	simm.s32 @!p1 $0x80;
	s26 =	sadd.s32 @!p1 $0x1, s26;
	[sflag:s28] =	ssyncset.done $0x0  }
.Ltmp1:
0x47: {  	s25 =	sadd.s32 @!p1 $0x6800, s25;
	[sflag:s28] =	ssyncadd.s32 $0xFFFFF000;
	(pc) =	sbr.rel @p0 .LBB2_4-.Ltmp1, $4  }
0x48: {  	[tilespmem:s25], [sflag:s26] =	stream.indirect.gather @!p1 [hbm4b:s3+s30], $0x20, s21, s30, $0xb8;
	[tilespmem:$0xA800] =	vst v63  }
0x49: {  	s28 =	sshll.u32 s29, $0xC;
	s25 =	sadd.s32 $0x1, s29  }
0x4a: {  	s23 =	sadd.s32 $0x200, s23;
	_ =	swait.ge [sflag:s25], $0x1000  }
0x4b: {  	s26 =	sadd.s32 $0x5, s29;
	s28 =	sadd.s32 $0x6800, s28;
	[sflag:s25] =	ssyncset.done $0x0  }
0x4c: {  	s20 =	sadd.s32 $0x1, s20  }
0x4d: {  	p0 =	sne.s32 s20, s5  }
.Ltmp2:
0x4e: {  	[sflag:s25] =	ssyncadd.s32 $0xFFFFF000;
	(pc) =	sbr.rel @p0 .LBB2_1-.Ltmp2, $4  }
0x4f: {  	[hbm4b:s24+s2] =	stream.linear.scatter [tilespmem:s28], [sflag:s26], $0x1000, $0x38;
	[tilespmem:$0xA800] =	vst v63  }
0x50: {  	_ =	swait.ge [sflag:s19], $0x1000  }
0x51: {  	[sflag:s19] =	ssyncset.done $0x0  }
0x52: {  	[sflag:s19] =	ssyncadd.s32 $0xFFFFF000  }
0x53: {  	_ =	sfence.sel $0x180000  }
0x54: {  	[bflag:$0x0] =	sbarrier.arrive $0xFFFF  }
0x55: {  	p0 =	sne.s32 s1, $0x0;
	_ =	strace $0x90000047  }
0x56: {  	s0 =	sadd.s32 @!p0 $0x100000, s0;
	[bflag:$0x2] =	sbarrier.arrive $0xFFFF  }
0x57: {  	[sflag:s0] =	ssyncadd.tile.s32 @!p0 $0x1;
	_ =	shalt  }
.Lfunc_end2:
_tile_overlayer_lowered:
.L_overlay_start_2:
0x58: {  	(tag) =	ssettag $0x2  }
0x59: {  	s0 =	rddreg [dreg:$0x0];
	s2 =	stileid.u32  }
0x5a: {  	s1 =	rddreg [dreg:$0x1];
	p0 =	sne.s32 s2, $0x0  }
0x5b: {  	s3 =	rddreg [dreg:$0x2];
	[bflag:$0x3] =	sbarrier.arrive $0xFFFF;
	s2 =	simm.s32 @!p0 $0x1C09  }
0x5c: {  	[timem:s3], [sflag:s2] =	dma.local @!p0 [hbm:s0], s1  }
0x5d: {  	s0 =	simm.s32 @!p0 $0x9  }
0x5e: {  	_ =	swait.ge @!p0 [sflag:s0], s1  }
0x5f: {  	s1 =	ssub.s32 @!p0 $0x0, s1;
	[sflag:s0] =	ssyncset.done @!p0 $0x0  }
0x60: {  	[sflag:s0] =	ssyncadd.s32 @!p0 s1  }
0x61: {  	[bflag:$0x3] =	sbarrier.arrive $0xFFFF  }
0x62: {  	_ =	shalt  }

// kernel: sparse-core-data-format-call.cloned.1.call-start
scs
called_computation_lowered:
.L_overlay_start_0:
0x0: {  	s2 =	sld [smem:$0x3FD9]  }
0x1: {  	s3 =	sld [smem:$0x3FFE];
	_ =	sdelay $0x1  }
0x2: {  	s1 =	srdreg.scid  }
0x3: {  	s0 =	sand.u32 $0x1, s1  }
0x4: {  	s18 =	sshll.u32 s0, $0xA;
	s2 =	sadd.s32 s3, s2  }
0x5: {  	s2 =	sadd.s32 s2, s18  }
0x6: {  	[smem:$0x3FC6] =	sst s2  }
0x7: {  	_ = 	snop  }
0x8: {  	s2 =	sld [smem:$0x3FD0];
	(tm) =	ssettm $0x1  }
0x9: {  	s19 =	sld [smem:$0x3FFB];
	_ =	sdelay $0x3  }
0xa: {  	_ =	strace s19  }
0xb: {  	s3 =	sld [smem:$0x3FFC];
	_ =	sdelay $0x3  }
0xc: {  	_ =	strace s3  }
0xd: {  	s3 =	sld [smem:$0x3FFD];
	_ =	sdelay $0x3  }
0xe: {  	_ =	strace s3  }
0xf: {  	_ =	strace $0x8FFFFFFF  }
0x10: {  	s20 =	sld [smem:$0x3FDB];
	_ =	sdelay $0x1  }
0x11: {  	s4 =	simm.s32 $_scs_section_size  }
0x12: {  	s5 =	simm.s32 $_size__tile_overlayer_lowered;
	s6 =	simm.s32 $_tile_overlayer_lowered  }
0x13: {  	s23 =	simm.s32 $0x1BFF;
	s22 =	sshll.u32 s6, $0x1;
	s3 =	sadd.s32 s4, s20  }
0x14: {  	s7 =	simm.s32 $0x0;
	s21 =	sshll.u32 s5, $0x1;
	s5 =	sadd.s32 s22, s3  }
0x15: {  	[timem:s7], [sflag:s23] =	dma.local [hbm:s5], s21  }
0x16: {  	_ =	swait.ge [sflag:s23], s21  }
0x17: {  	s4 =	ssub.s32 $0x0, s21;
	[sflag:s23] =	ssyncset.done $0x0  }
0x18: {  	[sflag:s23] =	ssyncadd.s32 s4;
	_ =	sdelay $0x1  }
0x19: {  	s24 =	simm.s32 $0x1B8B  }
0x1a: {  	_ =	swait.ge [sflag:s24], $0x1  }
0x1b: {  	[sflag:s24] =	ssyncset.done $0x0  }
0x1c: {  	s26 =	simm.s32 $0x1B8E;
	s25 =	sld [smem:$0x3FFE];
	[sflag:s24] =	ssyncadd.s32 $0xFFFFFFFF  }
0x1d: {  	s27 =	simm.s32 $execute0_lowered;
	[smem:$0x3FD2] =	sst s26  }
0x1e: {  	s5 =	sshll.u32 s27, $0x1;
	_ =	strace $0x80000049;
	[dreg:$0x1] =	wrdreg $0xFFFFFFFF  }
0x1f: {  	s28 =	simm.s32 $_size_execute0_lowered;
	s3 =	sadd.s32 s3, s5;
	[dreg:$0x0] =	wrdreg $0x0  }
0x20: {  	s5 =	sshll.u32 s28, $0x1;
	[dreg:$0x2] =	wrdreg s3  }
0x21: {  	[dreg:$0x3] =	wrdreg s5  }
0x22: {  	[dreg:$0x4] =	wrdreg $0xC0  }
0x23: {  	_ =	task [dreg:s7], $0x5FFFF  }
0x24: {  	[dreg:$0x1] =	wrdreg $0xFFFFFFFF  }
0x25: {  	[dreg:$0x0] =	wrdreg $0x60  }
0x26: {  	[dreg:$0x2] =	wrdreg s25  }
0x27: {  	[dreg:$0x3] =	wrdreg s2  }
0x28: {  	[dreg:$0x4] =	wrdreg $0x9  }
0x29: {  	_ =	task.clear_ibuf [dreg:s7], $0x5FFFF;
	_ =	strace $0x90000049  }
0x2a: {  	s29 =	simm.s32 $0x9;
	_ =	strace $0x8000004B  }
0x2b: {  	_ =	swait.ge [sflag:s29], $0x1  }
0x2c: {  	[sflag:s29] =	ssyncadd.s32 $0xFFFFFFFF  }
0x2d: {  	_ =	strace $0x9000004B  }
0x2e: {  	_ =	sfence  }
0x2f: {  	s30 =	sld [smem:$0x0];
	_ =	sdelay $0x2  }
0x30: {  	s31 =	sshll.u32 s1, $0xD;
	s1 =	sshrl.u32 s1, $0x2  }
0x31: {  	s3 =	sand.u32 $0x4000, s31;
	s1 =	sadd.s32 s1, s30  }
0x32: {  	s0 =	sor.u32 s3, s0;
	s1 =	sshll.u32 s1, $0x11  }
0x33: {  	s0 =	sor.u32 s1, s0  }
0x34: {  	s0 =	sadd.s32 $0x8F2B, s0  }
0x35: {  	[sflag:s0] =	ssyncadd.remote.s32 $0x1  }
0x36: {  	_ =	sfence.sel $0xFFFF  }
0x37: {  	[dreg:$0x0] =	wrdreg $0xFFFFFFFF;
	(pc) =	sbr.abs _section_cstart, $3  }
0x38: {  	[dreg:$0x1] =	wrdreg $0xFFFFFFFF  }
0x39: {  	_ =	task.clear_ibuf [dreg:s7], $0x2FFFF;
	_ =	strace $0x9FFFFFFF  }
0x3a: {  	(tm) =	ssettm $0x7FFFFFFF  }
0x3b: {  	_ =	shalt  }
tec
execute0_lowered:
.L_overlay_start_1:
0x0: {  	(tag) =	ssettag $0x1  }
0x1: {  	s0 =	srdreg.scid  }
0x2: {  	s1 =	sshll.u32 s0, $0x4  }
0x3: {  	s4 =	rddreg [dreg:$0x0];
	s0 =	stileid.u32;
	s1 =	sand.u32 $0x10, s1  }
0x4: {  	s2 =	rddreg [dreg:$0x1];
	s7 =	simm.s32 $0x1;
	s1 =	sor.u32 s0, s1  }
0x5: {  	s8 =	simm.s32 $0x2;
	s11 =	simm.s32 $0x0;
	s3 =	sshll.u32 s1, $0x7  }
0x6: {  	s10 =	simm.s32 $0x0;
	s4 =	sadd.s32 $0x800, s4;
	s6 =	ssub.s32 $0x68000, s3  }
.Ltmp0:
0x7: {  	s1 =	rddreg [dreg:$0x2];
	s5 =	sand.u32 $0xF80, s6;
	(pc) =	sbr.rel .LBB1_1-.Ltmp0, $4  }
0x8: {  	_ =	strace $0x8000004A;
	s9 =	smov.u32 s3;
	p0 =	sne.s32 s5, $0x0  }
0x9: {  	s6 =	sshrl.u32 s6, $0xC;
	s5 =	simm.s32 $0x1;
	s7 =	simm.s32 @!p0 $0x0  }
0xa: {  	[sflag:s5] =	ssyncpa.u1 $0x0;
	p0 =	por $0x0, $0x0;
	s6 =	sadd.s32 s7, s6  }
0xb: {  	[sflag:s8] =	ssyncpa.u1 $0x0;
	s8 =	simm.s32 $0x340000;
	s7 =	sadd.s32 $0x1, s6  }
.LBB1_4:
0xc: {  	s14 =	sshll.u32 s11, $0x3  }
0xd: {  	s30 =	sand.u32 $0x7F, s11;
	s15 =	sand.u32 $0xFFFFFC00, s14  }
0xe: {  	s11 =	sor.u32 s30, s15  }
0xf: {  	s15 =	smulhi.u32 $0x4EC4EC4F, s11  }
0x10: {  	s14 =	smulhi.u32 $0x4EC4EC4F, s14  }
0x11: {  	s15 =	sshrl.u32 s15, $0x11  }
0x12: {  	s14 =	sshrl.u32 s14, $0x11;
	s15 =	smul.u32 $0x68000, s15  }
0x13: {  	s14 =	sand.u32 $0x1F, s14  }
0x14: {  	s14 =	smul.u32 $0xD000, s14;
	s11 =	ssub.s32 s11, s15  }
0x15: {  	s15 =	sand.u32 $0x7, s11  }
0x16: {  	s14 =	sadd.s32 s2, s14;
	s11 =	sshrl.u32 s11, $0x3;
	s15 =	sshll.u32 s15, $0x12  }
0x17: {  	[tilespmem:s13+$0x0 ss:$0x81] =	vst.msk $0xffff, v0;
	s11 =	sadd.s32 s11, s14;
	s31 =	sor.u32 $0x400, s15  }
0x18: {  	[hbm4b:s11+s31] =	stream.strided.scatter [tilespmem:s12], [sflag:$0x2], $0x1000, s8, s31, $0x20;
	[tilespmem:$0x4040] =	vst v63  }
.LBB1_5:
0x19: {  	s13 =	sadd.s32 $0x1000, s9  }
0x1a: {  	p2 =	sgt.s32 s13, $0x67FFF  }
0x1b: {  	s13 =	smov.u32 @p2 s3;
	p2 =	sne.s32 s10, s7  }
.Ltmp1:
0x1c: {  	p1 =	slt.u32 s10, $0x2;
	(pc) =	sbr.rel @!p2 .LBB1_6-.Ltmp1, $4  }
0x1d: {  	s12 =	simm.s32 @!p1 $0x2  }
0x1e: {  	s14 =	sadd.s32 $0x1, s10;
	_ =	swait.ge @!p1 [sflag:s12], $0x1000  }
0x1f: {  	s11 =	smov.u32 s9;
	p0 =	por !p0, !p0;
	[sflag:s12] =	ssyncset.done @!p1 $0x0  }
0x20: {  	s10 =	smov.u32 s14;
	s9 =	smov.u32 s13;
	[sflag:s12] =	ssyncadd.s32 @!p1 $0xFFFFF000  }
.LBB1_1:
0x21: {  	p1 =	sge.u32 s10, s6  }
0x22: {  	s12 =	sand.u32 @!p1 $0x1FFFFFF, s9  }
0x23: {  	s13 =	smulhi.u32 @!p1 $0x2762763, s12;
	_ =	sdelay $0x1  }
0x24: {  	s13 =	sshrl.u32 @!p1 s13, $0xC  }
0x25: {  	s13 =	smul.u32 @!p1 $0x68000, s13;
	_ =	sdelay $0x1  }
0x26: {  	s31 =	sadd.s32 $0xFFFFFFFF, s10;
	s14 =	sxor.u32 @!p1 $0xFFFFFFFF, s10;
	s12 =	ssub.s32 @!p1 s12, s13  }
0x27: {  	s15 =	simm.s32 @!p1 $0x80;
	s14 =	sshll.u32 @!p1 s14, $0xC;
	s12 =	sshll.u32 @!p1 s12, $0x4  }
0x28: {  	s13 =	sand.u32 @!p1 $0x1000, s14;
	s14 =	simm.s32 @!p1 $0x20;
	s12 =	sadd.s32 @!p1 s4, s12  }
0x29: {  	[tilespmem:s13], [sflag:$0x1] =	stream.strided.gather @!p1 [hbm4b:s12+s14], $0x1000, s15, s14, $0x38;
	[tilespmem:$0x4040] =	vst v63  }
0x2a: {  	p1 =	sge.u32 s31, s6  }
.Ltmp2:
0x2b: {  	_ = 	snop;
	(pc) =	sbr.rel @p1 .LBB1_5-.Ltmp2, $1  }
0x2c: {  	_ =	sdelay $0x3  }
0x2d: {  	s12 =	simm.s32 $0x1  }
0x2e: {  	_ =	swait.ge [sflag:s5], $0x1000;
	s12 =	simm.s32 @!p0 $0x0  }
0x2f: {  	[sflag:s5] =	ssyncset.done $0x0;
	s13 =	sshll.u32 s12, $0xC  }
0x30: {  	[sflag:s5] =	ssyncadd.s32 $0xFFFFF000;
	s16 =	sor.u32 $0x10, s13  }
0x31: {  	s12 =	smul.u32 $0x4080, s12;
	v1 =	vld [tilespmem:s16+$0x0]  }
0x32: {  	s30 =	sand.u32 $0x1, s10;
	v0 =	vld [tilespmem:s16+$0xFFFFFFF0]  }
0x33: {  	s13 =	smul.u32 $0x4080, s30;
	s12 =	sshrl.u32 s12, $0x2  }
0x34: {  	s14 =	sor.u32 $0x2000, s12  }
0x35: {  	s31 =	sshrl.u32 s13, $0x2;
	s13 =	sadd.s32 $0x0, s14  }
0x36: {  	s15 =	simm.s32 $0x4;
	s16 =	sadd.s32 $0x20, s16;
	s12 =	sor.u32 $0x2000, s31;
	[tilespmem:s13+$0x810 ss:$0x81] =	vst.msk $0xffff, v1  }
.LBB1_3:
0x37: {  	v1 =	vld [tilespmem:s16+$0x0];
	p1 =	sne.s32 s15, $0x1FC;
	[tilespmem:s13+$0x0 ss:$0x81] =	vst.msk $0xffff, v0;
	s13 =	smov.u32 s15;
	s15 =	sadd.s32 $0x4, s15  }
.Ltmp3:
0x38: {  	v0 =	vld [tilespmem:s16+$0xFFFFFFF0];
	(pc) =	sbr.rel @p1 .LBB1_3-.Ltmp3, $4  }
0x39: {  	_ = 	snop  }
0x3a: {  	s13 =	sshra.s32 s13, $0x2  }
0x3b: {  	s13 =	sadd.s32 s13, s14  }
0x3c: {  	s16 =	sadd.s32 $0x20, s16;
	[tilespmem:s13+$0x810 ss:$0x81] =	vst.msk $0xffff, v1  }
.Ltmp4:
0x3d: {  	_ = 	snop;
	(pc) =	sbr.rel .LBB1_4-.Ltmp4, $1  }
0x3e: {  	_ =	sdelay $0x3  }
.LBB1_6:
0x3f: {  	_ =	sfence.sel $0x180000  }
0x40: {  	s2 =	simm.s32 $0x1;
	[bflag:$0x0] =	sbarrier.arrive $0xFFFF  }
0x41: {  	s31 =	simm.s32 $0x2;
	[sflag:s2] =	ssyncpa.u1 $0x1  }
0x42: {  	[sflag:s31] =	ssyncpa.u1 $0x1  }
0x43: {  	p0 =	sne.s32 s0, $0x0;
	_ =	strace $0x9000004A  }
0x44: {  	s0 =	sadd.s32 @!p0 $0x100000, s1;
	[bflag:$0x2] =	sbarrier.arrive $0xFFFF  }
0x45: {  	[sflag:s0] =	ssyncadd.tile.s32 @!p0 $0x1;
	_ =	shalt  }
.Lfunc_end1:
_tile_overlayer_lowered:
.L_overlay_start_2:
0x46: {  	(tag) =	ssettag $0x2  }
0x47: {  	s0 =	rddreg [dreg:$0x0];
	s2 =	stileid.u32  }
0x48: {  	s1 =	rddreg [dreg:$0x1];
	p0 =	sne.s32 s2, $0x0  }
0x49: {  	s3 =	rddreg [dreg:$0x2];
	[bflag:$0x3] =	sbarrier.arrive $0xFFFF;
	s2 =	simm.s32 @!p0 $0x1C01  }
0x4a: {  	[timem:s3], [sflag:s2] =	dma.local @!p0 [hbm:s0], s1  }
0x4b: {  	s0 =	simm.s32 @!p0 $0x1  }
0x4c: {  	_ =	swait.ge @!p0 [sflag:s0], s1  }
0x4d: {  	s1 =	ssub.s32 @!p0 $0x0, s1;
	[sflag:s0] =	ssyncset.done @!p0 $0x0  }
0x4e: {  	[sflag:s0] =	ssyncadd.s32 @!p0 s1  }
0x4f: {  	[bflag:$0x3] =	sbarrier.arrive $0xFFFF  }
0x50: {  	_ =	shalt  }

</sc_bundles>
